<compile_context>
chip_gen: v7x
topology: tpu7x:2x2x1
jax: 0.10.2.dev20260603
libtpu: 0.0.44.dev20260713+nightly
codegen_flags: <defaults>
</compile_context>

<pallas_src>
import functools

import jax
import jax.numpy as jnp
from jax import lax
from jax.experimental import pallas as pl
from jax.experimental.pallas import tpu as pltpu
from jax.experimental.pallas import tpu_sc as plsc

_LOG2 = 0.6931471805599453
_L = 16
_NW = 32

_C6 = -0.017029610589110285
_C5 = 0.08152317761753866
_C4 = -0.18901954822312647
_C3 = 0.3150412799087584
_C2 = -0.4972033312202197
_C1 = 0.9998325947816336
_C0 = 1.6936626599750422e-06


def _body(n, out_hbm, t_hbm, ei_hbm, part_hbm, out_v, t_v, ei_v, res_v):
    chunks = n // _L
    rows_per_w = n // _NW
    cid = lax.axis_index("c")
    sid = lax.axis_index("s")
    wid = sid * 2 + cid

    pltpu.sync_copy(out_hbm, out_v.at[0:n])
    pltpu.sync_copy(t_hbm, t_v.at[0:n])
    pltpu.sync_copy(ei_hbm, ei_v.at[0:n])

    iota_f = lax.iota(jnp.int32, _L).astype(jnp.float32)
    zeros = jnp.zeros((_L,), jnp.float32)
    res_v[0:_L] = zeros
    res_v[_L:2 * _L] = zeros

    def row_body(r, carry):
        row = wid + _NW * r
        ei_a = ei_v[pl.ds(row, _L)][0]

        @pl.when(ei_a != 0.0)
        def do_row():
            out_a = jnp.full((_L,), out_v[pl.ds(row, _L)][0], jnp.float32)
            t_a = jnp.full((_L,), t_v[pl.ds(row, _L)][0], jnp.float32)
            row_f = jnp.full((_L,), row.astype(jnp.float32), jnp.float32)

            def chunk_body(k, cc):
                racc, rcnt, colf = cc
                col = k * _L
                ob = out_v[pl.ds(col, _L)]
                tb = t_v[pl.ds(col, _L)]
                bidx = iota_f + colf
                mask = (t_a < tb) | ((t_a == tb) & (row_f < bidx))
                v = out_a - ob
                e = jnp.exp(-jnp.abs(v))
                p = _C6
                p = p * e + _C5
                p = p * e + _C4
                p = p * e + _C3
                p = p * e + _C2
                p = p * e + _C1
                p = p * e + _C0
                ls = jnp.minimum(v, 0.0) - p
                racc = racc + jnp.where(mask, ls, 0.0)
                rcnt = rcnt + jnp.where(mask, 1.0, 0.0)
                return racc, rcnt, colf + 16.0

            racc, rcnt, _ = lax.fori_loop(0, chunks, chunk_body,
                                          (zeros, zeros, zeros))
            res_v[0:_L] = res_v[0:_L] + racc
            res_v[_L:2 * _L] = res_v[_L:2 * _L] + rcnt

        return carry

    lax.fori_loop(0, rows_per_w, row_body, 0)
    pltpu.sync_copy(res_v, part_hbm.at[wid])


def kernel(output, event_time, event_indicator):
    n = output.shape[0]
    ei_f = event_indicator.astype(jnp.float32)
    mesh = plsc.VectorSubcoreMesh(core_axis_name="c", subcore_axis_name="s")
    k = pl.kernel(
        functools.partial(_body, n),
        out_type=jax.ShapeDtypeStruct((_NW, 2 * _L), jnp.float32),
        mesh=mesh,
        scratch_types=[
            pltpu.VMEM((n + _L,), jnp.float32),
            pltpu.VMEM((n + _L,), jnp.float32),
            pltpu.VMEM((n + _L,), jnp.float32),
            pltpu.VMEM((2 * _L,), jnp.float32),
        ],
    )
    part = k(output, event_time, ei_f)
    s = jnp.sum(part[:, :_L])
    cnt = jnp.sum(part[:, _L:])
    return -(cnt + s / _LOG2) / cnt

# --- scband reference (transcript-rebuilt; emitter-appended) ---
"""Pipeline reference for scband-stratified-ranking-loss-31069793419450 (READ-ONLY COPY).

The authoritative reference and input builder live on the scoring server;
editing this copy changes nothing except your own understanding.
"""

import jax, jax.numpy as jnp
import numpy as np

LOG2 = float(np.log(2.0))


def setup_inputs(seed: int = 0) -> dict:
    key = jax.random.key(seed)
    k1, k2, k3 = jax.random.split(key, 3)
    N = 4096
    output = jax.random.normal(k1, (N,), dtype=jnp.float32)
    event_time = jax.random.uniform(k2, (N,), dtype=jnp.float32)
    event_indicator = jax.random.randint(k3, (N,), 0, 2).astype(bool)
    return {"output": output, "event_time": event_time, "event_indicator": event_indicator}


def reference(output, event_time, event_indicator):
    # strata=None in the torch module -> a single stratum covering all samples,
    # so forward reduces to ranking_loss on the whole batch divided by valid_pairs.
    N = output.shape[0]
    sorted_ind = jnp.argsort(event_time)
    ei = event_indicator[sorted_ind]
    out = output[sorted_ind]
    idx = jnp.arange(N)
    # mask[i, j] = True iff uncensored sample i precedes sample j in sorted time order
    mask = ei[:, None] & (idx[:, None] < idx[None, :])
    v = out[:, None] - out[None, :]
    terms = 1.0 + jax.nn.log_sigmoid(v) / LOG2
    # sum over masked pairs (equivalent to v[mask] then sum)
    ranking_sum = jnp.sum(jnp.where(mask, terms, 0.0))
    valid_pairs = jnp.sum(jnp.where(ei, N - idx - 1, 0))
    p_loss = -ranking_sum
    return p_loss / valid_pairs.astype(jnp.float32)

if __name__ == "__main__":
    import jax
    _d = setup_inputs()
    print(jax.jit(kernel)(*tuple(_d.values())))

</pallas_src>

<mosaic_0001>
#map = affine_map<(d0, d1) -> (0)>
#map1 = affine_map<(d0, d1) -> (0, 0)>
module attributes {stable_mosaic.version = 14 : i64} {
  func.func @_body(%arg0: i32, %arg1: i32, %arg2: memref<4096xf32, #tpu.memory_space<hbm>>, %arg3: memref<4096xf32, #tpu.memory_space<hbm>>, %arg4: memref<4096xf32, #tpu.memory_space<hbm>>, %arg5: memref<32x32xf32, #tpu.memory_space<hbm>>, %arg6: memref<4112xf32, #tpu.memory_space<vmem>>, %arg7: memref<4112xf32, #tpu.memory_space<vmem>>, %arg8: memref<4112xf32, #tpu.memory_space<vmem>>, %arg9: memref<32xf32, #tpu.memory_space<vmem>>) attributes {dimension_semantics = [#tpu.dimension_semantics<core_parallel>, #tpu.dimension_semantics<subcore_parallel>], iteration_bounds = array<i64: 2, 16>, scalar_prefetch = 0 : i64, scratch_operands = 4 : i64, tpu.core_type = #tpu.core_type<sc_vector_subcore>, window_params = [{transform_indices = #map}, {transform_indices = #map}, {transform_indices = #map}, {transform_indices = #map1}]} {
    %mul3A = arith.constant 2 : i32
    %mul3A_0 = arith.muli %arg1, %mul3A : i32
    %add3A = arith.addi %mul3A_0, %arg0 : i32
    "tpu.region"() ({
      %run_scoped3A = tpu.sem_alloc : memref<!tpu.dma_semaphore, #tpu.memory_space<semaphore_mem>>
      %dma_start3A = arith.constant 0 : i32
      %dma_start3A_14 = tpu.memref_slice %arg6[%dma_start3A] : memref<4112xf32, #tpu.memory_space<vmem>> -> memref<4096xf32, #tpu.memory_space<vmem>>
      %dma_start3A_15 = arith.constant 0 : i32
      %dma_start3A_16 = tpu.memref_slice %arg6[%dma_start3A_15] : memref<4112xf32, #tpu.memory_space<vmem>> -> memref<4096xf32, #tpu.memory_space<vmem>>
      tpu.enqueue_dma source(%arg2 : memref<4096xf32, #tpu.memory_space<hbm>>) target(%dma_start3A_16 : memref<4096xf32, #tpu.memory_space<vmem>>) target_semaphore(%run_scoped3A : memref<!tpu.dma_semaphore, #tpu.memory_space<semaphore_mem>>)
      %dma_wait3A = arith.constant 0 : i32
      %dma_wait3A_17 = tpu.memref_slice %arg6[%dma_wait3A] : memref<4112xf32, #tpu.memory_space<vmem>> -> memref<4096xf32, #tpu.memory_space<vmem>>
      %dma_wait3A_18 = arith.constant 0 : i32
      %dma_wait3A_19 = tpu.memref_slice %arg6[%dma_wait3A_18] : memref<4112xf32, #tpu.memory_space<vmem>> -> memref<4096xf32, #tpu.memory_space<vmem>>
      tpu.wait_dma2 semaphore(%run_scoped3A : memref<!tpu.dma_semaphore, #tpu.memory_space<semaphore_mem>>) src(%arg2 : memref<4096xf32, #tpu.memory_space<hbm>>) dst(%dma_wait3A_19 : memref<4096xf32, #tpu.memory_space<vmem>>)
      tpu.yield
    }) : () -> ()
    "tpu.region"() ({
      %run_scoped3A = tpu.sem_alloc : memref<!tpu.dma_semaphore, #tpu.memory_space<semaphore_mem>>
      %dma_start3A = arith.constant 0 : i32
      %dma_start3A_14 = tpu.memref_slice %arg7[%dma_start3A] : memref<4112xf32, #tpu.memory_space<vmem>> -> memref<4096xf32, #tpu.memory_space<vmem>>
      %dma_start3A_15 = arith.constant 0 : i32
      %dma_start3A_16 = tpu.memref_slice %arg7[%dma_start3A_15] : memref<4112xf32, #tpu.memory_space<vmem>> -> memref<4096xf32, #tpu.memory_space<vmem>>
      tpu.enqueue_dma source(%arg3 : memref<4096xf32, #tpu.memory_space<hbm>>) target(%dma_start3A_16 : memref<4096xf32, #tpu.memory_space<vmem>>) target_semaphore(%run_scoped3A : memref<!tpu.dma_semaphore, #tpu.memory_space<semaphore_mem>>)
      %dma_wait3A = arith.constant 0 : i32
      %dma_wait3A_17 = tpu.memref_slice %arg7[%dma_wait3A] : memref<4112xf32, #tpu.memory_space<vmem>> -> memref<4096xf32, #tpu.memory_space<vmem>>
      %dma_wait3A_18 = arith.constant 0 : i32
      %dma_wait3A_19 = tpu.memref_slice %arg7[%dma_wait3A_18] : memref<4112xf32, #tpu.memory_space<vmem>> -> memref<4096xf32, #tpu.memory_space<vmem>>
      tpu.wait_dma2 semaphore(%run_scoped3A : memref<!tpu.dma_semaphore, #tpu.memory_space<semaphore_mem>>) src(%arg3 : memref<4096xf32, #tpu.memory_space<hbm>>) dst(%dma_wait3A_19 : memref<4096xf32, #tpu.memory_space<vmem>>)
      tpu.yield
    }) : () -> ()
    "tpu.region"() ({
      %run_scoped3A = tpu.sem_alloc : memref<!tpu.dma_semaphore, #tpu.memory_space<semaphore_mem>>
      %dma_start3A = arith.constant 0 : i32
      %dma_start3A_14 = tpu.memref_slice %arg8[%dma_start3A] : memref<4112xf32, #tpu.memory_space<vmem>> -> memref<4096xf32, #tpu.memory_space<vmem>>
      %dma_start3A_15 = arith.constant 0 : i32
      %dma_start3A_16 = tpu.memref_slice %arg8[%dma_start3A_15] : memref<4112xf32, #tpu.memory_space<vmem>> -> memref<4096xf32, #tpu.memory_space<vmem>>
      tpu.enqueue_dma source(%arg4 : memref<4096xf32, #tpu.memory_space<hbm>>) target(%dma_start3A_16 : memref<4096xf32, #tpu.memory_space<vmem>>) target_semaphore(%run_scoped3A : memref<!tpu.dma_semaphore, #tpu.memory_space<semaphore_mem>>)
      %dma_wait3A = arith.constant 0 : i32
      %dma_wait3A_17 = tpu.memref_slice %arg8[%dma_wait3A] : memref<4112xf32, #tpu.memory_space<vmem>> -> memref<4096xf32, #tpu.memory_space<vmem>>
      %dma_wait3A_18 = arith.constant 0 : i32
      %dma_wait3A_19 = tpu.memref_slice %arg8[%dma_wait3A_18] : memref<4112xf32, #tpu.memory_space<vmem>> -> memref<4096xf32, #tpu.memory_space<vmem>>
      tpu.wait_dma2 semaphore(%run_scoped3A : memref<!tpu.dma_semaphore, #tpu.memory_space<semaphore_mem>>) src(%arg4 : memref<4096xf32, #tpu.memory_space<hbm>>) dst(%dma_wait3A_19 : memref<4096xf32, #tpu.memory_space<vmem>>)
      tpu.yield
    }) : () -> ()
    %iota3A = tpu.iota {dimensions = array<i32: 0>} : vector<16xi32>
    %convert_element_type3A = arith.sitofp %iota3A : vector<16xi32> to vector<16xf32>
    %broadcast_in_dim3A = arith.constant 0.000000e+00 : f32
    %broadcast_in_dim3A_1 = vector.broadcast %broadcast_in_dim3A : f32 to vector<16xf32>
    %swap3A = arith.constant 0 : index
    %swap3A_2 = tpu.vector_load %arg9[%swap3A] {strides = array<i32>} : memref<32xf32, #tpu.memory_space<vmem>>, vector<16xf32>,
    %swap3A_3 = vector.shape_cast %swap3A_2 : vector<16xf32> to vector<16xf32>
    %swap3A_4 = vector.shape_cast %broadcast_in_dim3A_1 : vector<16xf32> to vector<16xf32>
    tpu.vector_store %arg9[%swap3A], %swap3A_4 {strides = array<i32>} : memref<32xf32, #tpu.memory_space<vmem>>, vector<16xf32>,
    %swap3A_5 = arith.constant 16 : index
    %swap3A_6 = tpu.vector_load %arg9[%swap3A_5] {strides = array<i32>} : memref<32xf32, #tpu.memory_space<vmem>>, vector<16xf32>,
    %swap3A_7 = vector.shape_cast %swap3A_6 : vector<16xf32> to vector<16xf32>
    %swap3A_8 = vector.shape_cast %broadcast_in_dim3A_1 : vector<16xf32> to vector<16xf32>
    tpu.vector_store %arg9[%swap3A_5], %swap3A_8 {strides = array<i32>} : memref<32xf32, #tpu.memory_space<vmem>>, vector<16xf32>,
    %scan3A = arith.constant 0 : i32
    %scan3A_9 = arith.constant 0 : i32
    %scan3A_10 = arith.constant 128 : i32
    %scan3A_11 = arith.addi %scan3A_9, %scan3A_10 : i32
    %scan3A_12 = arith.constant 1 : i32
    scf.for %scan3A_14 = %scan3A_9 to %scan3A_11 step %scan3A_12  : i32 {
      %mul3A_15 = arith.constant 32 : i32
      %mul3A_16 = arith.muli %mul3A_15, %scan3A_14 : i32
      %add3A_17 = arith.addi %add3A, %mul3A_16 : i32
      %get3A = arith.index_cast %add3A_17 : i32 to index
      %get3A_18 = tpu.vector_load %arg8[%get3A] {strides = array<i32>} : memref<4112xf32, #tpu.memory_space<vmem>>, vector<16xf32>,
      %get3A_19 = vector.shape_cast %get3A_18 : vector<16xf32> to vector<16xf32>
      %slice3A = vector.extract_strided_slice %get3A_19 {offsets = [0], sizes = [1], strides = [1]} : vector<16xf32> to vector<1xf32>
      %squeeze3A = vector.extract %slice3A[0] : f32 from vector<1xf32>
      %ne3A = arith.constant 0.000000e+00 : f32
      %ne3A_20 = arith.cmpf one, %squeeze3A, %ne3A : f32
      %convert_element_type3A_21 = arith.extui %ne3A_20 : i1 to i32
      %cond3A = arith.constant 0 : i32
      %cond3A_22 = arith.cmpi ne, %convert_element_type3A_21, %cond3A : i32
      scf.if %cond3A_22 {
        %get3A_23 = arith.index_cast %add3A_17 : i32 to index
        %get3A_24 = tpu.vector_load %arg6[%get3A_23] {strides = array<i32>} : memref<4112xf32, #tpu.memory_space<vmem>>, vector<16xf32>,
        %get3A_25 = vector.shape_cast %get3A_24 : vector<16xf32> to vector<16xf32>
        %slice3A_26 = vector.extract_strided_slice %get3A_25 {offsets = [0], sizes = [1], strides = [1]} : vector<16xf32> to vector<1xf32>
        %squeeze3A_27 = vector.extract %slice3A_26[0] : f32 from vector<1xf32>
        %broadcast_in_dim3A_28 = vector.broadcast %squeeze3A_27 : f32 to vector<16xf32>
        %get3A_29 = arith.index_cast %add3A_17 : i32 to index
        %get3A_30 = tpu.vector_load %arg7[%get3A_29] {strides = array<i32>} : memref<4112xf32, #tpu.memory_space<vmem>>, vector<16xf32>,
        %get3A_31 = vector.shape_cast %get3A_30 : vector<16xf32> to vector<16xf32>
        %slice3A_32 = vector.extract_strided_slice %get3A_31 {offsets = [0], sizes = [1], strides = [1]} : vector<16xf32> to vector<1xf32>
        %squeeze3A_33 = vector.extract %slice3A_32[0] : f32 from vector<1xf32>
        %broadcast_in_dim3A_34 = vector.broadcast %squeeze3A_33 : f32 to vector<16xf32>
        %convert_element_type3A_35 = arith.sitofp %add3A_17 : i32 to f32
        %broadcast_in_dim3A_36 = vector.broadcast %convert_element_type3A_35 : f32 to vector<16xf32>
        %scan3A_37 = arith.constant 0 : i32
        %scan3A_38 = arith.constant 256 : i32
        %scan3A_39 = arith.addi %scan3A_37, %scan3A_38 : i32
        %scan3A_40 = arith.constant 1 : i32
        %scan3A_41:3 = scf.for %scan3A_59 = %scan3A_37 to %scan3A_39 step %scan3A_40 iter_args(%scan3A_60 = %broadcast_in_dim3A_1, %scan3A_61 = %broadcast_in_dim3A_1, %scan3A_62 = %broadcast_in_dim3A_1) -> (vector<16xf32>, vector<16xf32>, vector<16xf32>)  : i32 {
          %mul3A_63 = arith.constant 16 : i32
          %mul3A_64 = arith.muli %scan3A_59, %mul3A_63 : i32
          %get3A_65 = arith.index_cast %mul3A_64 : i32 to index
          %get3A_66 = tpu.vector_load %arg6[%get3A_65] {strides = array<i32>} : memref<4112xf32, #tpu.memory_space<vmem>>, vector<16xf32>,
          %get3A_67 = vector.shape_cast %get3A_66 : vector<16xf32> to vector<16xf32>
          %get3A_68 = arith.index_cast %mul3A_64 : i32 to index
          %get3A_69 = tpu.vector_load %arg7[%get3A_68] {strides = array<i32>} : memref<4112xf32, #tpu.memory_space<vmem>>, vector<16xf32>,
          %get3A_70 = vector.shape_cast %get3A_69 : vector<16xf32> to vector<16xf32>
          %add3A_71 = arith.addf %convert_element_type3A, %scan3A_62 : vector<16xf32>
          %lt3A = arith.cmpf olt, %broadcast_in_dim3A_34, %get3A_70 : vector<16xf32>
          %eq3A = arith.cmpf oeq, %broadcast_in_dim3A_34, %get3A_70 : vector<16xf32>
          %lt3A_72 = arith.cmpf olt, %broadcast_in_dim3A_36, %add3A_71 : vector<16xf32>
          %and3A = arith.andi %eq3A, %lt3A_72 : vector<16xi1>
          %or3A = arith.ori %lt3A, %and3A : vector<16xi1>
          %sub3A = arith.subf %broadcast_in_dim3A_28, %get3A_67 : vector<16xf32>
          %abs3A = math.absf %sub3A : vector<16xf32>
          %neg3A = arith.constant 0.000000e+00 : f32
          %neg3A_73 = vector.broadcast %neg3A : f32 to vector<16xf32>
          %neg3A_74 = arith.subf %neg3A_73, %abs3A : vector<16xf32>
          %exp3A = math.exp %neg3A_74 : vector<16xf32>
          %mul3A_75 = arith.constant -0.0170296114 : f32
          %mul3A_76 = vector.broadcast %mul3A_75 : f32 to vector<16xf32>
          %mul3A_77 = arith.mulf %mul3A_76, %exp3A : vector<16xf32>
          %add3A_78 = arith.constant 0.08152318 : f32
          %add3A_79 = vector.broadcast %add3A_78 : f32 to vector<16xf32>
          %add3A_80 = arith.addf %mul3A_77, %add3A_79 : vector<16xf32>
          %mul3A_81 = arith.mulf %add3A_80, %exp3A : vector<16xf32>
          %add3A_82 = arith.constant -0.189019546 : f32
          %add3A_83 = vector.broadcast %add3A_82 : f32 to vector<16xf32>
          %add3A_84 = arith.addf %mul3A_81, %add3A_83 : vector<16xf32>
          %mul3A_85 = arith.mulf %add3A_84, %exp3A : vector<16xf32>
          %add3A_86 = arith.constant 0.315041274 : f32
          %add3A_87 = vector.broadcast %add3A_86 : f32 to vector<16xf32>
          %add3A_88 = arith.addf %mul3A_85, %add3A_87 : vector<16xf32>
          %mul3A_89 = arith.mulf %add3A_88, %exp3A : vector<16xf32>
          %add3A_90 = arith.constant -0.49720332 : f32
          %add3A_91 = vector.broadcast %add3A_90 : f32 to vector<16xf32>
          %add3A_92 = arith.addf %mul3A_89, %add3A_91 : vector<16xf32>
          %mul3A_93 = arith.mulf %add3A_92, %exp3A : vector<16xf32>
          %add3A_94 = arith.constant 0.99983257 : f32
          %add3A_95 = vector.broadcast %add3A_94 : f32 to vector<16xf32>
          %add3A_96 = arith.addf %mul3A_93, %add3A_95 : vector<16xf32>
          %mul3A_97 = arith.mulf %add3A_96, %exp3A : vector<16xf32>
          %add3A_98 = arith.constant 1.69366263E-6 : f32
          %add3A_99 = vector.broadcast %add3A_98 : f32 to vector<16xf32>
          %add3A_100 = arith.addf %mul3A_97, %add3A_99 : vector<16xf32>
          %min3A = arith.constant 0.000000e+00 : f32
          %min3A_101 = vector.broadcast %min3A : f32 to vector<16xf32>
          %min3A_102 = arith.minimumf %sub3A, %min3A_101 : vector<16xf32>
          %sub3A_103 = arith.subf %min3A_102, %add3A_100 : vector<16xf32>
          %jit3A = arith.constant 0.000000e+00 : f32
          %broadcast_in_dim3A_104 = vector.broadcast %jit3A : f32 to vector<16xf32>
          %select_n3A = arith.select %or3A, %sub3A_103, %broadcast_in_dim3A_104 : vector<16xi1>, vector<16xf32>
          %add3A_105 = arith.addf %scan3A_60, %select_n3A : vector<16xf32>
          %jit3A_106 = arith.constant 1.000000e+00 : f32
          %jit3A_107 = arith.constant 0.000000e+00 : f32
          %broadcast_in_dim3A_108 = vector.broadcast %jit3A_106 : f32 to vector<16xf32>
          %broadcast_in_dim3A_109 = vector.broadcast %jit3A_107 : f32 to vector<16xf32>
          %select_n3A_110 = arith.select %or3A, %broadcast_in_dim3A_108, %broadcast_in_dim3A_109 : vector<16xi1>, vector<16xf32>
          %add3A_111 = arith.addf %scan3A_61, %select_n3A_110 : vector<16xf32>
          %add3A_112 = arith.constant 1.600000e+01 : f32
          %add3A_113 = vector.broadcast %add3A_112 : f32 to vector<16xf32>
          %add3A_114 = arith.addf %scan3A_62, %add3A_113 : vector<16xf32>
          scf.yield %add3A_105, %add3A_111, %add3A_114 : vector<16xf32>, vector<16xf32>, vector<16xf32>
        }
        %scan3A_42 = arith.constant 256 : i32
        %get3A_43 = arith.constant 0 : index
        %get3A_44 = tpu.vector_load %arg9[%get3A_43] {strides = array<i32>} : memref<32xf32, #tpu.memory_space<vmem>>, vector<16xf32>,
        %get3A_45 = vector.shape_cast %get3A_44 : vector<16xf32> to vector<16xf32>
        %add3A_46 = arith.addf %get3A_45, %scan3A_41#0 : vector<16xf32>
        %swap3A_47 = arith.constant 0 : index
        %swap3A_48 = tpu.vector_load %arg9[%swap3A_47] {strides = array<i32>} : memref<32xf32, #tpu.memory_space<vmem>>, vector<16xf32>,
        %swap3A_49 = vector.shape_cast %swap3A_48 : vector<16xf32> to vector<16xf32>
        %swap3A_50 = vector.shape_cast %add3A_46 : vector<16xf32> to vector<16xf32>
        tpu.vector_store %arg9[%swap3A_47], %swap3A_50 {strides = array<i32>} : memref<32xf32, #tpu.memory_space<vmem>>, vector<16xf32>,
        %get3A_51 = arith.constant 16 : index
        %get3A_52 = tpu.vector_load %arg9[%get3A_51] {strides = array<i32>} : memref<32xf32, #tpu.memory_space<vmem>>, vector<16xf32>,
        %get3A_53 = vector.shape_cast %get3A_52 : vector<16xf32> to vector<16xf32>
        %add3A_54 = arith.addf %get3A_53, %scan3A_41#1 : vector<16xf32>
        %swap3A_55 = arith.constant 16 : index
        %swap3A_56 = tpu.vector_load %arg9[%swap3A_55] {strides = array<i32>} : memref<32xf32, #tpu.memory_space<vmem>>, vector<16xf32>,
        %swap3A_57 = vector.shape_cast %swap3A_56 : vector<16xf32> to vector<16xf32>
        %swap3A_58 = vector.shape_cast %add3A_54 : vector<16xf32> to vector<16xf32>
        tpu.vector_store %arg9[%swap3A_55], %swap3A_58 {strides = array<i32>} : memref<32xf32, #tpu.memory_space<vmem>>, vector<16xf32>,
      } else {
      }
    }
    %scan3A_13 = arith.constant 128 : i32
    "tpu.region"() ({
      %run_scoped3A = tpu.sem_alloc : memref<!tpu.dma_semaphore, #tpu.memory_space<semaphore_mem>>
      %dma_start3A = arith.constant 0 : i32
      %dma_start3A_14 = tpu.memref_slice %arg5[%add3A, %dma_start3A] : memref<32x32xf32, #tpu.memory_space<hbm>> -> memref<1x32xf32, #tpu.memory_space<hbm>>
      %dma_start3A_15 = tpu.memref_squeeze %dma_start3A_14 : memref<1x32xf32, #tpu.memory_space<hbm>> -> memref<32xf32, #tpu.memory_space<hbm>>
      %dma_start3A_16 = arith.constant 0 : i32
      %dma_start3A_17 = tpu.memref_slice %arg5[%add3A, %dma_start3A_16] : memref<32x32xf32, #tpu.memory_space<hbm>> -> memref<1x32xf32, #tpu.memory_space<hbm>>
      %dma_start3A_18 = tpu.memref_squeeze %dma_start3A_17 : memref<1x32xf32, #tpu.memory_space<hbm>> -> memref<32xf32, #tpu.memory_space<hbm>>
      tpu.enqueue_dma source(%arg9 : memref<32xf32, #tpu.memory_space<vmem>>) target(%dma_start3A_18 : memref<32xf32, #tpu.memory_space<hbm>>) target_semaphore(%run_scoped3A : memref<!tpu.dma_semaphore, #tpu.memory_space<semaphore_mem>>)
      %dma_wait3A = arith.constant 0 : i32
      %dma_wait3A_19 = tpu.memref_slice %arg5[%add3A, %dma_wait3A] : memref<32x32xf32, #tpu.memory_space<hbm>> -> memref<1x32xf32, #tpu.memory_space<hbm>>
      %dma_wait3A_20 = tpu.memref_squeeze %dma_wait3A_19 : memref<1x32xf32, #tpu.memory_space<hbm>> -> memref<32xf32, #tpu.memory_space<hbm>>
      %dma_wait3A_21 = arith.constant 0 : i32
      %dma_wait3A_22 = tpu.memref_slice %arg5[%add3A, %dma_wait3A_21] : memref<32x32xf32, #tpu.memory_space<hbm>> -> memref<1x32xf32, #tpu.memory_space<hbm>>
      %dma_wait3A_23 = tpu.memref_squeeze %dma_wait3A_22 : memref<1x32xf32, #tpu.memory_space<hbm>> -> memref<32xf32, #tpu.memory_space<hbm>>
      tpu.wait_dma2 semaphore(%run_scoped3A : memref<!tpu.dma_semaphore, #tpu.memory_space<semaphore_mem>>) src(%arg9 : memref<32xf32, #tpu.memory_space<vmem>>) dst(%dma_wait3A_23 : memref<32xf32, #tpu.memory_space<hbm>>)
      tpu.yield
    }) : () -> ()
    return
  }
}

</mosaic_0001>

<sc_bundles>
// kernel: kernel.3.cloned.1.call-start
scs
__scs_entry_jumppad:
0x0: {  	(pc) =	sbr.rel $0x88, $3  }
0x1: {  	(tag) =	ssettag $0x0;
	lr =	simm.s32 $0x1  }
0x2: {  	[smem:$0x3F9E] =	sst lr;
	_ =	strace $0xD0000000  }
0x3: {  	_ = 	snop  }
0x4: {  	_ = 	snop  }
0x5: {  	_ = 	snop  }
0x6: {  	_ = 	snop  }
0x7: {  	_ = 	snop  }
__scs_overlays_trampoline_lowered:
0x8: {  	[smem:$0x3FAD] =	sst s0  }
0x9: {  	[smem:$0x3FAE] =	sst s1  }
0xa: {  	[smem:$0x3FAF] =	sst s2  }
0xb: {  	[smem:$0x3FB0] =	sst s3  }
0xc: {  	[smem:$0x3FB1] =	sst s4  }
0xd: {  	[smem:$0x3FB2] =	sst s5  }
0xe: {  	[smem:$0x3FB3] =	sst s6  }
0xf: {  	[smem:$0x3FB4] =	sst s7  }
0x10: {  	[smem:$0x3FB5] =	sst s8  }
0x11: {  	[smem:$0x3FB6] =	sst s9;
	s0 =	simm.s32 @!p0 $0x0  }
0x12: {  	s1 =	sld [smem:$0x3F9C];
	s0 =	simm.s32 @p0 $0x1  }
0x13: {  	[smem:$0x3FB7] =	sst s0;
	s0 =	simm.s32 @!p1 $0x0  }
0x14: {  	s2 =	sld [smem:$0x3F9B];
	s0 =	simm.s32 @p1 $0x1  }
0x15: {  	[smem:$0x3FB8] =	sst s0;
	s0 =	simm.s32 @!p2 $0x0  }
0x16: {  	s3 =	sld [smem:$0x3FDB];
	s0 =	simm.s32 @p2 $0x1  }
0x17: {  	s4 =	simm.s32 $0x1BF5;
	[smem:$0x3FBA] =	sst s0  }
0x18: {  	s0 =	sld [smem:$0x3F9D];
	_ =	swait.ge [sflag:s4], $0x0  }
0x19: {  	s7 =	sld [smem:$0x3F9E]  }
0x1a: {  	s8 =	sadd.s32 $0xFFFFE003, lr  }
0x1b: {  	s9 =	sadd.s32 $0xFFFFFEF7, lr;
	s5 =	simm.s32 $0xFFFFFFFF;
	p2 =	slt.u32 s8, $0xFFFFF086  }
0x1c: {  	p1 =	slt.u32 s9, $0xF7A;
	s5 =	simm.s32 @!p2 $0x0  }
0x1d: {  	s5 =	simm.s32 @p1 $0x1;
	p0 =	seq.s32 s7, s2  }
0x1e: {  	s7 =	smul.u32 @!p0 $0xF7A, s2;
	p2 =	seq.s32 @!p0 s5, $0x0  }
0x1f: {  	s9 =	smul.u32 $0xF7A, s1;
	s8 =	simm.s32 @!p0 $0x1BF5;
	p2 =	por !p2, p0  }
0x20: {  	[sflag:s8] =	ssyncset.s32 @!p0 $0xFFFFF086;
	s6 =	sadd.s32 @!p0 s3, s7;
	s7 =	simm.s32 @!p0 $0x108  }
0x21: {  	s3 =	sadd.s32 s3, s9;
	s6 =	sadd.s32 @!p0 $0x88, s6;
	s7 =	simm.s32 @p2 $0x1082  }
0x22: {  	[simem:s7], [sflag:s8] =	dma.local @!p0 [hbm:s6], $0xF7A  }
0x23: {  	s9 =	sor.u32 $0xD0000000, s2;
	s6 =	simm.s32 $0x108;
	_ =	swait.ge @!p0 [sflag:s8], $0x0  }
0x24: {  	s3 =	sadd.s32 $0x88, s3;
	s6 =	simm.s32 @!p1 $0x1082;
	[sflag:s4] =	ssyncset.s32 $0xFFFFF086  }
0x25: {  	[simem:s6], [sflag:s4] =	dma.local [hbm:s3], $0xF7A  }
0x26: {  	[smem:$0x3F9E] =	sst s1;
	(tag) =	ssettag s2;
	_ =	strace s9  }
0x27: {  	s1 =	sld [smem:$0x3FAE]  }
0x28: {  	s2 =	sld [smem:$0x3FAF]  }
0x29: {  	s4 =	sld [smem:$0x3FB1]  }
0x2a: {  	p0 =	seq.s32 s5, $0x0;
	s5 =	sld [smem:$0x3FB2]  }
0x2b: {  	s6 =	sld [smem:$0x3FB3]  }
0x2c: {  	s7 =	sld [smem:$0x3FB4]  }
0x2d: {  	s3 =	simm.s32 $0x108;
	s8 =	sld [smem:$0x3FB5]  }
0x2e: {  	s3 =	simm.s32 @!p0 $0x1082;
	s9 =	sld [smem:$0x3FB6]  }
0x2f: {  	lr =	sadd.s32 s0, s3;
	s0 =	sld [smem:$0x3FAD]  }
0x30: {  	s3 =	sld [smem:$0x3FB0]  }
0x31: {  	[smem:$0x3FB9] =	sst s10  }
0x32: {  	s10 =	sld [smem:$0x3FB7];
	_ =	sdelay $0x3  }
0x33: {  	p0 =	seq.s32 s10, $0x1;
	s10 =	sld [smem:$0x3FB9];
	_ =	sdelay $0x3  }
0x34: {  	[smem:$0x3FB9] =	sst s10  }
0x35: {  	s10 =	sld [smem:$0x3FB8];
	_ =	sdelay $0x3  }
0x36: {  	p1 =	seq.s32 s10, $0x1;
	s10 =	sld [smem:$0x3FB9];
	_ =	sdelay $0x3  }
0x37: {  	[smem:$0x3FB9] =	sst s10  }
0x38: {  	s10 =	sld [smem:$0x3FBA]  }
0x39: {  	_ = 	snop;
	(pc) =	sbr.ind lr, $3  }
0x3a: {  	_ = 	snop  }
0x3b: {  	_ = 	snop  }
0x3c: {  	p2 =	seq.s32 s10, $0x1;
	s10 =	sld [smem:$0x3FB9]  }
0x3d: {  	_ =	shalt  }
0x3e: {  	_ =	shalt  }
0x3f: {  	_ =	shalt  }
0x40: {  	_ =	shalt  }
0x41: {  	_ =	shalt  }
0x42: {  	_ =	shalt  }
0x43: {  	_ =	shalt  }
0x44: {  	_ =	shalt  }
0x45: {  	_ =	shalt  }
0x46: {  	_ =	shalt  }
0x47: {  	_ =	shalt  }
0x48: {  	_ =	shalt  }
0x49: {  	_ =	shalt  }
0x4a: {  	_ =	shalt  }
0x4b: {  	_ =	shalt  }
0x4c: {  	_ =	shalt  }
0x4d: {  	_ =	shalt  }
0x4e: {  	_ =	shalt  }
0x4f: {  	_ =	shalt  }
0x50: {  	_ =	shalt  }
0x51: {  	_ =	shalt  }
0x52: {  	_ =	shalt  }
0x53: {  	_ =	shalt  }
0x54: {  	_ =	shalt  }
0x55: {  	_ =	shalt  }
0x56: {  	_ =	shalt  }
0x57: {  	_ =	shalt  }
0x58: {  	_ =	shalt  }
0x59: {  	_ =	shalt  }
0x5a: {  	_ =	shalt  }
0x5b: {  	_ =	shalt  }
0x5c: {  	_ =	shalt  }
0x5d: {  	_ =	shalt  }
0x5e: {  	_ =	shalt  }
0x5f: {  	_ =	shalt  }
0x60: {  	_ =	shalt  }
0x61: {  	_ =	shalt  }
0x62: {  	_ =	shalt  }
0x63: {  	_ =	shalt  }
0x64: {  	_ =	shalt  }
0x65: {  	_ =	shalt  }
0x66: {  	_ =	shalt  }
0x67: {  	_ =	shalt  }
0x68: {  	_ =	shalt  }
0x69: {  	_ =	shalt  }
0x6a: {  	_ =	shalt  }
0x6b: {  	_ =	shalt  }
0x6c: {  	_ =	shalt  }
0x6d: {  	_ =	shalt  }
0x6e: {  	_ =	shalt  }
0x6f: {  	_ =	shalt  }
0x70: {  	_ =	shalt  }
0x71: {  	_ =	shalt  }
0x72: {  	_ =	shalt  }
0x73: {  	_ =	shalt  }
0x74: {  	_ =	shalt  }
0x75: {  	_ =	shalt  }
0x76: {  	_ =	shalt  }
0x77: {  	_ =	shalt  }
0x78: {  	_ =	shalt  }
0x79: {  	_ =	shalt  }
0x7a: {  	_ =	shalt  }
0x7b: {  	_ =	shalt  }
0x7c: {  	_ =	shalt  }
0x7d: {  	_ =	shalt  }
0x7e: {  	_ =	shalt  }
0x7f: {  	_ =	shalt  }
0x80: {  	_ =	shalt  }
0x81: {  	_ =	shalt  }
0x82: {  	_ =	shalt  }
0x83: {  	_ =	shalt  }
0x84: {  	_ =	shalt  }
0x85: {  	_ =	shalt  }
0x86: {  	_ =	shalt  }
0x87: {  	_ =	shalt  }
.Lfunc_end0:
.L_simem_size_0:
called_computation_lowered:
.L_overlay_start_0:
0x88: {  	s2 =	sld [smem:$0x3FD9]  }
0x89: {  	s3 =	sld [smem:$0x3FFE];
	_ =	sdelay $0x1  }
0x8a: {  	s1 =	srdreg.scid  }
0x8b: {  	s0 =	sand.u32 $0x1, s1  }
0x8c: {  	s17 =	sshll.u32 s0, $0xA;
	s2 =	sadd.s32 s3, s2  }
0x8d: {  	s2 =	sadd.s32 s2, s17  }
0x8e: {  	[smem:$0x3FC5] =	sst s2  }
0x8f: {  	_ = 	snop  }
0x90: {  	s2 =	sld [smem:$0x3FC9]  }
0x91: {  	s18 =	sld [smem:$0x3FC8];
	(tm) =	ssettm $0x1  }
0x92: {  	s4 =	sld [smem:$0x3FFB];
	_ =	sdelay $0x3  }
0x93: {  	_ =	strace s4  }
0x94: {  	s4 =	sld [smem:$0x3FFC];
	_ =	sdelay $0x3  }
0x95: {  	_ =	strace s4  }
0x96: {  	s4 =	sld [smem:$0x3FFD];
	_ =	sdelay $0x3  }
0x97: {  	_ =	strace s4  }
0x98: {  	_ =	strace $0x8FFFFFFF  }
0x99: {  	s19 =	sld [smem:$0x3FDB];
	_ =	sdelay $0x1  }
0x9a: {  	s5 =	simm.s32 $_scs_section_size  }
0x9b: {  	s6 =	simm.s32 $_size__tile_overlayer_lowered;
	s7 =	simm.s32 $_tile_overlayer_lowered  }
0x9c: {  	s22 =	simm.s32 $0x1BFF;
	s21 =	sshll.u32 s7, $0x1;
	s4 =	sadd.s32 s5, s19  }
0x9d: {  	s8 =	simm.s32 $0x0;
	s20 =	sshll.u32 s6, $0x1;
	s6 =	sadd.s32 s21, s4  }
0x9e: {  	[timem:s8], [sflag:s22] =	dma.local [hbm:s6], s20  }
0x9f: {  	_ =	swait.ge [sflag:s22], s20  }
0xa0: {  	s5 =	ssub.s32 $0x0, s20;
	[sflag:s22] =	ssyncset.done $0x0  }
0xa1: {  	[sflag:s22] =	ssyncadd.s32 s5;
	_ =	sdelay $0x1  }
0xa2: {  	s23 =	simm.s32 $0x1B8B  }
0xa3: {  	_ =	swait.ge [sflag:s23], $0x1  }
0xa4: {  	[sflag:s23] =	ssyncset.done $0x0  }
0xa5: {  	s25 =	simm.s32 $0x1B8E;
	s24 =	sld [smem:$0x3FFE];
	[sflag:s23] =	ssyncadd.s32 $0xFFFFFFFF  }
0xa6: {  	s26 =	simm.s32 $execute0_lowered;
	[smem:$0x3FD2] =	sst s25  }
0xa7: {  	s6 =	sshll.u32 s26, $0x1;
	_ =	strace $0x80000046;
	[dreg:$0x1] =	wrdreg $0xFFFFFFFF  }
0xa8: {  	s28 =	simm.s32 $_size_execute0_lowered;
	s4 =	sadd.s32 s4, s6;
	[dreg:$0x0] =	wrdreg $0x0  }
0xa9: {  	s6 =	sshll.u32 s28, $0x1;
	[dreg:$0x2] =	wrdreg s4  }
0xaa: {  	[dreg:$0x3] =	wrdreg s6  }
0xab: {  	[dreg:$0x4] =	wrdreg $0xC0  }
0xac: {  	_ =	task [dreg:s8], $0x5FFFF  }
0xad: {  	[dreg:$0x1] =	wrdreg $0xFFFFFFFF  }
0xae: {  	[dreg:$0x0] =	wrdreg $0x60  }
0xaf: {  	[dreg:$0x2] =	wrdreg s2  }
0xb0: {  	[dreg:$0x3] =	wrdreg s18  }
0xb1: {  	[dreg:$0x4] =	wrdreg s24  }
0xb2: {  	[dreg:$0x5] =	wrdreg $0x9  }
0xb3: {  	_ =	task.clear_ibuf [dreg:s8], $0x6FFFF;
	_ =	strace $0x90000046  }
0xb4: {  	s29 =	simm.s32 $0x9;
	_ =	strace $0x80000048  }
0xb5: {  	_ =	swait.ge [sflag:s29], $0x1  }
0xb6: {  	[sflag:s29] =	ssyncadd.s32 $0xFFFFFFFF  }
0xb7: {  	_ =	strace $0x90000048  }
0xb8: {  	_ =	sfence  }
0xb9: {  	s30 =	sld [smem:$0x0];
	_ =	sdelay $0x2  }
0xba: {  	s31 =	sshll.u32 s1, $0xD;
	s1 =	sshrl.u32 s1, $0x2  }
0xbb: {  	s3 =	sand.u32 $0x4000, s31;
	s1 =	sadd.s32 s1, s30  }
0xbc: {  	s0 =	sor.u32 s3, s0;
	s1 =	sshll.u32 s1, $0x11  }
0xbd: {  	s0 =	sor.u32 s1, s0  }
0xbe: {  	s0 =	sadd.s32 $0x8F2B, s0  }
0xbf: {  	[sflag:s0] =	ssyncadd.remote.s32 $0x1  }
0xc0: {  	_ =	sfence.sel $0xFFFF  }
0xc1: {  	[dreg:$0x0] =	wrdreg $0xFFFFFFFF;
	(pc) =	sbr.abs _section_cstart, $3  }
0xc2: {  	[dreg:$0x1] =	wrdreg $0xFFFFFFFF  }
0xc3: {  	_ =	task.clear_ibuf [dreg:s8], $0x2FFFF;
	_ =	strace $0x9FFFFFFF  }
0xc4: {  	(tm) =	ssettm $0x7FFFFFFF  }
0xc5: {  	_ =	shalt  }
tec
execute0_lowered:
.L_overlay_start_1:
0x0: {  	(tag) =	ssettag $0x1  }
0x1: {  	v0 =	vimm.f32 $1.500000000e+01;
	vm0 =	vcmask $0x300  }
0x2: {  	vm14 =	vcmask $0x704;
	v0 =	vsel vm0, $0x0, v0  }
0x3: {  	vm15 =	vcmask $0xB08;
	v0 =	vsel vm14, $0x3F800000, v0  }
0x4: {  	vm4 =	vcmask $0xF0C;
	v0 =	vsel vm15, $0x40000000, v0  }
0x5: {  	vm5 =	vcmask $0x1310;
	v0 =	vsel vm4, $0x40400000, v0  }
0x6: {  	vm6 =	vcmask $0x1714;
	v0 =	vsel vm5, $0x40800000, v0  }
0x7: {  	s0 =	rddreg [dreg:$0x0];
	vm7 =	vcmask $0x1B18;
	v0 =	vsel vm6, $0x40A00000, v0  }
0x8: {  	s2 =	rddreg [dreg:$0x1];
	vm8 =	vcmask $0x1F1C;
	v0 =	vsel vm7, $0x40C00000, v0  }
0x9: {  	s3 =	srdreg.scid;
	s1 =	stileid.u32;
	vm9 =	vcmask $0x2320;
	v0 =	vsel vm8, $0x40E00000, v0  }
0xa: {  	s4 =	rddreg [dreg:$0x2];
	vm10 =	vcmask $0x2724;
	s6 =	simm.s32 $0x0;
	s10 =	simm.s32 $0x1080;
	v0 =	vsel vm9, $0x41000000, v0  }
0xb: {  	vm11 =	vcmask $0x2B28;
	s11 =	simm.s32 $0x2100;
	s12 =	simm.s32 $0x3180;
	s13 =	simm.s32 $0x0;
	v0 =	vsel vm10, $0x41100000, v0  }
.Ltmp0:
0xc: {  	vm12 =	vcmask $0x2F2C;
	s7 =	sand.u32 $0x1, s3;
	s5 =	sshll.u32 s1, $0x1;
	v0 =	vsel vm11, $0x41200000, v0;
	(pc) =	sbr.rel .LBB2_1-.Ltmp0, $4  }
0xd: {  	vm13 =	vcmask $0x3330;
	s3 =	rddreg [dreg:$0x3];
	s5 =	sor.u32 s7, s5;
	s7 =	ssub.s32 $0x2, s7;
	v0 =	vsel vm12, $0x41300000, v0  }
0xe: {  	[smem:$0x7FF] =	sst s6;
	vm14 =	vcmask $0x3734;
	s8 =	sshll.u32 s5, $0x4;
	s9 =	sshrl.u32 s7, $0x1;
	v0 =	vsel vm13, $0x41400000, v0  }
0xf: {  	_ =	strace $0x80000047;
	vm15 =	vcmask $0x3B38;
	s8 =	sadd.s32 s8, s4;
	s9 =	ssub.s32 s7, s9;
	v0 =	vsel vm14, $0x41500000, v0  }
0x10: {  	v1 =	vimm.f32 $0.0e+00;
	s7 =	sadd.s32 $0x200, s8;
	s8 =	smax.u32 s9, $0x1;
	s9 =	simm.s32 $0x1;
	v0 =	vsel vm15, $0x41600000, v0  }
.LBB2_7:
0x11: {  	s13 =	sadd.s32 $0x1, s13  }
0x12: {  	p0 =	sne.s32 s13, s8  }
.Ltmp1:
0x13: {  	_ = 	snop;
	(pc) =	sbr.rel @!p0 .LBB2_8-.Ltmp1, $4  }
0x14: {  	[hbm4b:s7+s6] =	stream.linear.scatter [tilespmem:s12], [sflag:$0x1], $0x80, $0x38;
	[tilespmem:$0x3200] =	vst v63  }
0x15: {  	_ =	swait.ge [sflag:s9], $0x80  }
0x16: {  	[sflag:s9] =	ssyncset.done $0x0  }
0x17: {  	[sflag:s9] =	ssyncadd.s32 $0xFFFFFF80  }
.LBB2_1:
0x18: {  	[tilespmem:s6], [sflag:$0x1] =	stream.linear.gather [hbm4b:s0+s6], $0x1000, $0x38;
	[tilespmem:$0x3200] =	vst v63  }
0x19: {  	_ =	swait.ge [sflag:s9], $0x1000  }
0x1a: {  	[sflag:s9] =	ssyncset.done $0x0  }
0x1b: {  	[sflag:s9] =	ssyncadd.s32 $0xFFFFF000  }
0x1c: {  	[tilespmem:s10], [sflag:$0x1] =	stream.linear.gather [hbm4b:s2+s6], $0x1000, $0x38;
	[tilespmem:$0x3200] =	vst v63  }
0x1d: {  	_ =	swait.ge [sflag:s9], $0x1000  }
0x1e: {  	[sflag:s9] =	ssyncset.done $0x0  }
0x1f: {  	[sflag:s9] =	ssyncadd.s32 $0xFFFFF000  }
0x20: {  	[tilespmem:s11], [sflag:$0x1] =	stream.linear.gather [hbm4b:s4+s6], $0x1000, $0x38;
	[tilespmem:$0x3200] =	vst v63  }
.Ltmp2:
0x21: {  	_ =	swait.ge [sflag:s9], $0x1000;
	(pc) =	sbr.rel .LBB2_2-.Ltmp2, $4  }
0x22: {  	[sflag:s9] =	ssyncset.done $0x0  }
0x23: {  	[sflag:s9] =	ssyncadd.s32 $0xFFFFF000  }
0x24: {  	[tilespmem:$0x3180] =	vst v1  }
0x25: {  	v2 =	vimm.f32 $0.0e+00;
	v3 =	vimm.f32 $0.0e+00;
	s14 =	simm.s32 $0x0;
	[tilespmem:$0x3190] =	vst v1  }
.LBB2_6:
0x26: {  	s14 =	sadd.s32 $0x1, s14  }
0x27: {  	p0 =	sne.s32 s14, $0x80  }
.Ltmp3:
0x28: {  	_ = 	snop;
	(pc) =	sbr.rel @!p0 .LBB2_7-.Ltmp3, $1  }
0x29: {  	_ =	sdelay $0x3  }
.LBB2_2:
0x2a: {  	s15 =	sshll.u32 s14, $0x5  }
0x2b: {  	s17 =	sor.u32 s5, s15  }
0x2c: {  	v4 =	vld [tilespmem:s17+$0x2100];
	_ =	sdelay $0x4  }
0x2d: {  	(v2sf) =	vpush v4, $0x0;
	_ =	sdelay $0xe  }
0x2e: {  	s31 =	spop (v2sf)  }
0x2f: {  	p0 =	slt.f32 s31, $0.0e+00;
	p1 =	sgt.f32 s31, $0.0e+00  }
0x30: {  	_ = 	snop  }
0x31: {  	p0 =	por p1, p0  }
0x32: {  	p0 =	por !p0, !p0  }
.Ltmp4:
0x33: {  	_ = 	snop;
	(pc) =	sbr.rel @p0 .LBB2_6-.Ltmp4, $1  }
0x34: {  	_ =	sdelay $0x3  }
0x35: {  	v10 =	vld.msk [tilespmem:s17+$0x0 ss:$0x0], $0xffff;
	s16 =	simm.s32 $0x0  }
0x36: {  	v4 =	vld [tilespmem:s16+$0x0];
	_ =	sdelay $0x4  }
0x37: {  	v14 =	vsub.f32 v10, v4;
	_ =	sdelay $0x1  }
0x38: {  	v4 =	vand.u32 $0x7FFFFFFF, v14  }
0x39: {  	v4 =	vsub.f32 $0.0e+00, v4  }
0x3a: {  	s19 =	simm.s32 $0x10  }
0x3b: {  	v5 =	vld [tilespmem:s19+$0x0];
	v4 =	vmul.f32 $1.442695020e+00, v4;
	_ =	sdelay $0x1  }
0x3c: {  	(erf) = vpow2.f32 v4;
	_ =	sdelay $0x2  }
0x3d: {  	v9 =	vsub.f32 v10, v5;
	_ =	sdelay $0x1  }
0x3e: {  	v4 =	vand.u32 $0x7FFFFFFF, v9  }
0x3f: {  	v4 =	vsub.f32 $0.0e+00, v4;
	_ =	sdelay $0x1  }
0x40: {  	s18 =	simm.s32 $0x20;
	v4 =	vmul.f32 $1.442695020e+00, v4  }
0x41: {  	v5 =	vld [tilespmem:s18+$0x0];
	v6 =	vpop (erf)  }
0x42: {  	(erf) = vpow2.f32 v4;
	v4 =	vmul.f32 $-1.702961140e-02, v6;
	_ =	sdelay $0x1  }
0x43: {  	v4 =	vadd.f32 $8.152318000e-02, v4;
	_ =	sdelay $0x1  }
0x44: {  	v8 =	vsub.f32 v10, v5;
	v4 =	vmul.f32 v4, v6;
	_ =	sdelay $0x1  }
0x45: {  	v5 =	vand.u32 $0x7FFFFFFF, v8;
	v4 =	vadd.f32 $-1.890195460e-01, v4  }
0x46: {  	s15 =	simm.s32 $0x30;
	v5 =	vsub.f32 $0.0e+00, v5  }
0x47: {  	v7 =	vld [tilespmem:s15+$0x0];
	v4 =	vmul.f32 v4, v6  }
0x48: {  	v5 =	vmul.f32 $1.442695020e+00, v5  }
0x49: {  	v12 =	vpop (erf);
	v4 =	vadd.f32 $3.150412740e-01, v4  }
0x4a: {  	(erf) = vpow2.f32 v5;
	v5 =	vmul.f32 $-1.702961140e-02, v12  }
0x4b: {  	v11 =	vmul.f32 v4, v6  }
0x4c: {  	v7 =	vsub.f32 v10, v7;
	v5 =	vadd.f32 $8.152318000e-02, v5  }
0x4d: {  	v11 =	vadd.f32 $-4.972033200e-01, v11  }
0x4e: {  	v15 =	vld [tilespmem:s16+$0x1080];
	s16 =	simm.s32 $0x40;
	v13 =	vand.u32 $0x7FFFFFFF, v7;
	v5 =	vmul.f32 v5, v12  }
0x4f: {  	v17 =	vld [tilespmem:s16+$0x0];
	v16 =	vsub.f32 $0.0e+00, v13;
	v11 =	vmul.f32 v11, v6  }
0x50: {  	s31 =	scvt.s32.f32 s17;
	v13 =	vimm.f32 $0.0e+00;
	v4 =	vld.msk [tilespmem:s17+$0x1080 ss:$0x0], $0xffff;
	v18 =	vadd.f32 $-1.890195460e-01, v5  }
0x51: {  	v19 =	vadd.f32 v0, v13;
	v16 =	vmul.f32 $1.442695020e+00, v16  }
0x52: {  	v5 =	vmov s31;
	v18 =	vmul.f32 v18, v12;
	v20 =	vadd.f32 $9.998325700e-01, v11  }
0x53: {  	vm0 =	vlt.f32 v5, v19;
	v11 =	vpop (erf);
	(erf) = vpow2.f32 v16  }
0x54: {  	v18 =	vadd.f32 $3.150412740e-01, v18;
	v19 =	vmul.f32 v20, v6;
	v16 =	vmul.f32 $-1.702961140e-02, v11  }
0x55: {  	vm1 =	vlt.f32 v4, v15;
	vm2 =	veq.f32 v4, v15;
	v6 =	vsub.f32 v10, v17  }
0x56: {  	v17 =	vadd.f32 $1.693662630e-06, v19;
	v15 =	vadd.f32 $8.152318000e-02, v16;
	v16 =	vmul.f32 v18, v12  }
0x57: {  	v14 =	vmin.f32 v14, $0.0e+00;
	vm0 =	vmand vm0, vm2;
	v18 =	vand.u32 $0x7FFFFFFF, v6  }
0x58: {  	v17 =	vsub.f32 v14, v17;
	v15 =	vmul.f32 v15, v11;
	v19 =	vadd.f32 $-4.972033200e-01, v16  }
0x59: {  	s17 =	simm.s32 $0x50;
	vm0 =	vmor vm1, vm0;
	v20 =	vsub.f32 $0.0e+00, v18;
	v14 =	vadd.f32 $1.600000000e+01, v13;
	v16 =	vld [tilespmem:s19+$0x1080]  }
0x5a: {  	v18 =	vadd.f32 $-1.890195460e-01, v15;
	v19 =	vmul.f32 v19, v12;
	v15 =	vnsel vm0, $0x0, v17;
	v17 =	vld [tilespmem:s17+$0x0]  }
0x5b: {  	s19 =	simm.s32 $0x180;
	v21 =	vmul.f32 $1.442695020e+00, v20;
	v20 =	vadd.f32 v0, v14;
	v15 =	vadd.f32 v15, v13  }
.LBB2_4:
0x5c: {  	p0 =	sne.s32 s19, $0x3FC0;
	v22 =	vpop (erf);
	v18 =	vmul.f32 v18, v11;
	v19 =	vadd.f32 $9.998325700e-01, v19;
	v23 =	vsel vm0, $0x3F800000, v1  }
0x5d: {  	(erf) = vpow2.f32 v21;
	vm0 =	vlt.f32 v5, v20;
	v13 =	vadd.f32 v23, v13  }
0x5e: {  	v20 =	vmul.f32 $-1.702961140e-02, v22;
	v18 =	vadd.f32 $3.150412740e-01, v18;
	v19 =	vmul.f32 v19, v12;
	v12 =	vmovc v11;
	v11 =	vmovc v22  }
0x5f: {  	vm1 =	vlt.f32 v4, v16;
	vm2 =	veq.f32 v4, v16;
	v17 =	vsub.f32 v10, v17  }
0x60: {  	v16 =	vadd.f32 $8.152318000e-02, v20;
	v18 =	vmul.f32 v18, v12;
	v19 =	vadd.f32 $1.693662630e-06, v19  }
.Ltmp5:
0x61: {  	v21 =	vmin.f32 v9, $0.0e+00;
	v9 =	vmovc v8;
	v8 =	vmovc v7;
	vm0 =	vmand vm0, vm2;
	v20 =	vand.u32 $0x7FFFFFFF, v17;
	(pc) =	sbr.rel @p0 .LBB2_4-.Ltmp5, $4  }
0x62: {  	v7 =	vmovc v6;
	v22 =	vmul.f32 v16, v11;
	v6 =	vmovc v17;
	v23 =	vadd.f32 $-4.972033200e-01, v18;
	v21 =	vsub.f32 v21, v19  }
0x63: {  	s20 =	sshra.s32 s19, $0x2;
	v14 =	vadd.f32 $1.600000000e+01, v14;
	vm0 =	vmor vm1, vm0;
	v20 =	vsub.f32 $0.0e+00, v20;
	v16 =	vld [tilespmem:s18+$0x1080];
	s18 =	smov.u32 s15;
	s15 =	smov.u32 s16  }
0x64: {  	v18 =	vadd.f32 $-1.890195460e-01, v22;
	s16 =	smov.u32 s17;
	s17 =	smov.u32 s20;
	v17 =	vld [tilespmem:s20+$0x0];
	v19 =	vmul.f32 v23, v12;
	v22 =	vnsel vm0, $0x0, v21  }
0x65: {  	s19 =	sadd.s32 $0x40, s19;
	v21 =	vmul.f32 $1.442695020e+00, v20;
	v20 =	vadd.f32 v0, v14;
	v15 =	vadd.f32 v22, v15  }
0x66: {  	_ =	sdelay $0x2  }
0x67: {  	v10 =	vsub.f32 v10, v17;
	_ =	sdelay $0x1  }
0x68: {  	v17 =	vand.u32 $0x7FFFFFFF, v10  }
0x69: {  	v17 =	vsub.f32 $0.0e+00, v17;
	_ =	sdelay $0x1  }
0x6a: {  	(erf) = vpow2.f32 v21;
	v17 =	vmul.f32 $1.442695020e+00, v17;
	_ =	sdelay $0x1  }
0x6b: {  	v31 =	vpop (erf);
	v18 =	vmul.f32 v18, v11;
	v19 =	vadd.f32 $9.998325700e-01, v19;
	(erf) = vpow2.f32 v17  }
0x6c: {  	v32 =	vsel vm0, $0x3F800000, v1;
	v9 =	vmin.f32 v9, $0.0e+00;
	v14 =	vadd.f32 $1.600000000e+01, v14  }
0x6d: {  	v8 =	vmin.f32 v8, $0.0e+00;
	v7 =	vmin.f32 v7, $0.0e+00;
	v22 =	vmul.f32 $-1.702961140e-02, v31  }
0x6e: {  	v6 =	vmin.f32 v6, $0.0e+00;
	v13 =	vadd.f32 v32, v13;
	v12 =	vmul.f32 v19, v12  }
0x6f: {  	vm12 =	vlt.f32 v5, v20;
	v18 =	vadd.f32 $3.150412740e-01, v18;
	v33 =	vadd.f32 $8.152318000e-02, v22  }
0x70: {  	vm1 =	vlt.f32 v4, v16;
	vm2 =	veq.f32 v4, v16;
	v12 =	vadd.f32 $1.693662630e-06, v12  }
0x71: {  	v40 =	vadd.f32 v0, v14;
	v14 =	vadd.f32 $1.600000000e+01, v14;
	v35 =	vmul.f32 v33, v31  }
0x72: {  	vm0 =	vmand vm12, vm2;
	v34 =	vmul.f32 v18, v11;
	v9 =	vsub.f32 v9, v12;
	v37 =	vpop (erf)  }
0x73: {  	v41 =	vld [tilespmem:s18+$0x1080];
	vm0 =	vmor vm1, vm0;
	v38 =	vadd.f32 $-1.890195460e-01, v35;
	v39 =	vmul.f32 $-1.702961140e-02, v37  }
0x74: {  	v50 =	vadd.f32 v0, v14;
	v14 =	vadd.f32 $1.600000000e+01, v14;
	v9 =	vnsel vm0, $0x0, v9;
	v43 =	vpop (erf)  }
0x75: {  	v49 =	vld [tilespmem:s15+$0x1080];
	v17 =	vmul.f32 v38, v31;
	v42 =	vadd.f32 $8.152318000e-02, v39;
	v23 =	vmul.f32 $-1.702961140e-02, v43  }
0x76: {  	vm13 =	vlt.f32 v5, v40;
	v36 =	vadd.f32 $-4.972033200e-01, v34;
	v9 =	vadd.f32 v9, v15  }
0x77: {  	v54 =	vld [tilespmem:s16+$0x1080];
	v17 =	vadd.f32 $3.150412740e-01, v17;
	v15 =	vmul.f32 v42, v37;
	v47 =	vadd.f32 $8.152318000e-02, v23  }
0x78: {  	v44 =	vsel vm0, $0x3F800000, v1;
	vm14 =	vlt.f32 v4, v41;
	v16 =	vmul.f32 v36, v11  }
0x79: {  	v46 =	vmul.f32 v17, v31;
	v15 =	vadd.f32 $-1.890195460e-01, v15;
	v17 =	vmul.f32 v47, v43  }
0x7a: {  	vm15 =	veq.f32 v4, v41;
	vm5 =	veq.f32 v4, v49;
	v16 =	vadd.f32 $9.998325700e-01, v16  }
0x7b: {  	vm6 =	vlt.f32 v4, v49;
	v15 =	vmul.f32 v15, v37;
	v17 =	vadd.f32 $-1.890195460e-01, v17  }
0x7c: {  	vm9 =	veq.f32 v4, v54;
	vm10 =	vlt.f32 v4, v54;
	v45 =	vmul.f32 v16, v11  }
0x7d: {  	v16 =	vadd.f32 $-4.972033200e-01, v46;
	v15 =	vadd.f32 $3.150412740e-01, v15;
	v17 =	vmul.f32 v17, v43  }
0x7e: {  	v13 =	vadd.f32 v44, v13;
	vm0 =	vmand vm13, vm15;
	v11 =	vadd.f32 $1.693662630e-06, v45  }
0x7f: {  	v48 =	vmul.f32 v16, v31;
	v15 =	vmul.f32 v15, v37;
	v53 =	vadd.f32 $3.150412740e-01, v17  }
0x80: {  	vm4 =	vlt.f32 v5, v50;
	vm0 =	vmor vm14, vm0;
	v8 =	vsub.f32 v8, v11  }
0x81: {  	v59 =	vld [tilespmem:s17+$0x1080];
	v11 =	vadd.f32 $9.998325700e-01, v48;
	v52 =	vadd.f32 $-4.972033200e-01, v15;
	v15 =	vmul.f32 v53, v43  }
0x82: {  	v56 =	vadd.f32 v0, v14;
	vm1 =	vmand vm4, vm5;
	v8 =	vnsel vm0, $0x0, v8  }
0x83: {  	v51 =	vmul.f32 v11, v31;
	v11 =	vmul.f32 v52, v37;
	v15 =	vadd.f32 $-4.972033200e-01, v15  }
0x84: {  	v14 =	vadd.f32 $1.600000000e+01, v14;
	vm7 =	vmor vm6, vm1;
	v8 =	vadd.f32 v8, v9  }
0x85: {  	v9 =	vadd.f32 $1.693662630e-06, v51;
	v11 =	vadd.f32 $9.998325700e-01, v11;
	v57 =	vmul.f32 v15, v43  }
0x86: {  	vm8 =	vlt.f32 v5, v56;
	v62 =	vadd.f32 v0, v14;
	vm13 =	veq.f32 v4, v59  }
0x87: {  	v7 =	vsub.f32 v7, v9;
	v11 =	vmul.f32 v11, v37;
	v12 =	vadd.f32 $9.998325700e-01, v57  }
0x88: {  	vm1 =	vmand vm8, vm9;
	v61 =	vsel vm7, $0x3F800000, v1;
	v55 =	vsel vm0, $0x3F800000, v1  }
0x89: {  	v7 =	vnsel vm7, $0x0, v7;
	v58 =	vadd.f32 $1.693662630e-06, v11;
	v60 =	vmul.f32 v12, v43  }
0x8a: {  	vm14 =	vlt.f32 v4, v59;
	v13 =	vadd.f32 v55, v13;
	v7 =	vadd.f32 v7, v8  }
0x8b: {  	vm12 =	vlt.f32 v5, v62;
	v6 =	vsub.f32 v6, v58;
	v8 =	vadd.f32 $1.693662630e-06, v60  }
0x8c: {  	vm11 =	vmor vm10, vm1;
	v5 =	vmin.f32 v10, $0.0e+00;
	vm1 =	vmand vm12, vm13  }
0x8d: {  	v9 =	vadd.f32 v61, v13;
	v6 =	vnsel vm11, $0x0, v6;
	v4 =	vsub.f32 v5, v8  }
0x8e: {  	v63 =	vsel vm11, $0x3F800000, v1;
	vm15 =	vmor vm14, vm1;
	v5 =	vadd.f32 v6, v7  }
0x8f: {  	v6 =	vadd.f32 v63, v9;
	v4 =	vnsel vm15, $0x0, v4  }
0x90: {  	v4 =	vadd.f32 v4, v5;
	v5 =	vsel vm15, $0x3F800000, v1  }
.Ltmp6:
0x91: {  	v5 =	vadd.f32 v5, v6;
	(pc) =	sbr.rel .LBB2_6-.Ltmp6, $4  }
0x92: {  	v3 =	vadd.f32 v3, v4  }
0x93: {  	v2 =	vadd.f32 v2, v5  }
0x94: {  	[tilespmem:$0x3180] =	vst v3  }
0x95: {  	[tilespmem:$0x3190] =	vst v2  }
.LBB2_8:
0x96: {  	_ =	sfence.sel $0x180000  }
0x97: {  	[bflag:$0x0] =	sbarrier.arrive $0xFFFF  }
0x98: {  	p0 =	sne.s32 s1, $0x0;
	_ =	strace $0x90000047  }
0x99: {  	s0 =	sadd.s32 @!p0 $0x100000, s3;
	[bflag:$0x2] =	sbarrier.arrive $0xFFFF  }
0x9a: {  	[sflag:s0] =	ssyncadd.tile.s32 @!p0 $0x1;
	_ =	shalt  }
.Lfunc_end2:
_tile_overlayer_lowered:
.L_overlay_start_2:
0x9b: {  	(tag) =	ssettag $0x2  }
0x9c: {  	s0 =	rddreg [dreg:$0x0];
	s2 =	stileid.u32  }
0x9d: {  	s1 =	rddreg [dreg:$0x1];
	p0 =	sne.s32 s2, $0x0  }
0x9e: {  	s3 =	rddreg [dreg:$0x2];
	[bflag:$0x3] =	sbarrier.arrive $0xFFFF;
	s2 =	simm.s32 @!p0 $0x1C01  }
0x9f: {  	[timem:s3], [sflag:s2] =	dma.local @!p0 [hbm:s0], s1  }
0xa0: {  	s0 =	simm.s32 @!p0 $0x1  }
0xa1: {  	_ =	swait.ge @!p0 [sflag:s0], s1  }
0xa2: {  	s1 =	ssub.s32 @!p0 $0x0, s1;
	[sflag:s0] =	ssyncset.done @!p0 $0x0  }
0xa3: {  	[sflag:s0] =	ssyncadd.s32 @!p0 s1  }
0xa4: {  	[bflag:$0x3] =	sbarrier.arrive $0xFFFF  }
0xa5: {  	_ =	shalt  }

</sc_bundles>
